<compile_context>
chip_gen: v7x
topology: tpu7x:2x2x1
jax: 0.10.2.dev20260603
libtpu: 0.0.44.dev20260713+nightly
codegen_flags: <defaults>
</compile_context>

<pallas_src>
import functools

import jax
import jax.numpy as jnp
from jax import lax
from jax.experimental import pallas as pl
from jax.experimental.pallas import tpu as pltpu
from jax.experimental.pallas import tpu_sc as plsc

VOCAB_N = 1000
EMBED_N = 128
OUT_N = 2
BATCH_N = 4096
SEQ_N = 200
VPAD = 1024
LANES = 16
UNROLL = 8
L_STEPS = SEQ_N // UNROLL


def _project_body(w_ref, t_ref, b_ref, o_ref):
    p = lax.dot_general(
        w_ref[...], t_ref[...],
        dimension_numbers=(((1,), (1,)), ((), ())),
        preferred_element_type=jnp.float32,
    )
    o_ref[...] = (p + b_ref[...]) * (1.0 / SEQ_N)


def _project(table, w, b):
    return pl.pallas_call(
        _project_body,
        out_shape=jax.ShapeDtypeStruct((OUT_N, VOCAB_N), jnp.float32),
    )(w, table, b.reshape(OUT_N, 1))


@functools.lru_cache(maxsize=None)
def _make_sc_pool(nc, ns):
    nw = nc * ns
    rows_per_w = BATCH_N // nw
    idx_per_w = rows_per_w * SEQ_N
    groups = rows_per_w // LANES

    mesh = plsc.VectorSubcoreMesh(core_axis_name="c", subcore_axis_name="s")

    @functools.partial(
        pl.kernel,
        mesh=mesh,
        compiler_params=pltpu.CompilerParams(needs_layout_passes=False),
        out_type=(
            jax.ShapeDtypeStruct((BATCH_N,), jnp.float32),
            jax.ShapeDtypeStruct((BATCH_N,), jnp.float32),
        ),
        scratch_types=[
            pltpu.VMEM((VPAD,), jnp.float32),
            pltpu.VMEM((VPAD,), jnp.float32),
            pltpu.VMEM((idx_per_w,), jnp.int32),
            pltpu.VMEM((rows_per_w,), jnp.float32),
            pltpu.VMEM((rows_per_w,), jnp.float32),
        ],
    )
    def sc_pool(p_hbm, ids_hbm, o0_hbm, o1_hbm, p0_v, p1_v, idx_v, o0_v, o1_v):
        wid = lax.axis_index("s") * nc + lax.axis_index("c")
        base = wid * idx_per_w
        pltpu.sync_copy(p_hbm.at[0], p0_v)
        pltpu.sync_copy(p_hbm.at[1], p1_v)
        pltpu.sync_copy(ids_hbm.at[pl.ds(base, idx_per_w)], idx_v)

        lane_off = lax.iota(jnp.int32, LANES) * SEQ_N

        def group_body(g, carry):
            gbase = g * (LANES * SEQ_N)

            def l_body(s, accs):
                a0, a1 = accs
                for u in range(UNROLL):
                    addrs = lane_off + (gbase + s * UNROLL + u)
                    idx = plsc.load_gather(idx_v, [addrs])
                    a0 = a0 + plsc.load_gather(p0_v, [idx])
                    a1 = a1 + plsc.load_gather(p1_v, [idx])
                return a0, a1

            zero = jnp.zeros((LANES,), jnp.float32)
            a0, a1 = lax.fori_loop(0, L_STEPS, l_body, (zero, zero))
            o0_v[pl.ds(g * LANES, LANES)] = a0
            o1_v[pl.ds(g * LANES, LANES)] = a1
            return carry

        lax.fori_loop(0, groups, group_body, 0)
        pltpu.sync_copy(o0_v, o0_hbm.at[pl.ds(wid * rows_per_w, rows_per_w)])
        pltpu.sync_copy(o1_v, o1_hbm.at[pl.ds(wid * rows_per_w, rows_per_w)])

    return sc_pool


def kernel(input_ids, table, W, b):
    p = _project(table, W, b)
    p = jnp.pad(p, ((0, 0), (0, VPAD - VOCAB_N)))
    ids_flat = input_ids.reshape(-1).astype(jnp.int32)
    info = plsc.get_sparse_core_info()
    sc_pool = _make_sc_pool(info.num_cores, info.num_subcores)
    out0, out1 = sc_pool(p, ids_flat)
    return jnp.stack([out0, out1], axis=-1)

# --- scband reference (transcript-rebuilt; emitter-appended) ---
"""Pipeline reference for scband-dummy-model-61615600828538 (READ-ONLY COPY).

The authoritative reference and input builder live on the scoring server;
editing this copy changes nothing except your own understanding.
"""

import jax, jax.numpy as jnp
import numpy as np

VOCAB = 1000
EMBED_DIM = 128
OUT_DIM = 2
BATCH = 4096
SEQ = 200

def setup_inputs(seed: int = 0) -> dict:
    key = jax.random.key(seed)
    k_idx, k_tab, k_w, k_b = jax.random.split(key, 4)
    input_ids = jax.random.randint(k_idx, (BATCH, SEQ), 0, VOCAB, dtype=jnp.int64 if jax.config.jax_enable_x64 else jnp.int32)
    table = jax.random.normal(k_tab, (VOCAB, EMBED_DIM), dtype=jnp.float32)
    W = jax.random.normal(k_w, (OUT_DIM, EMBED_DIM), dtype=jnp.float32) * (1.0 / np.sqrt(EMBED_DIM))
    b = jax.random.normal(k_b, (OUT_DIM,), dtype=jnp.float32) * 0.01
    return {"input_ids": input_ids, "table": table, "W": W, "b": b}

def reference(input_ids, table, W, b):
    # embedding lookup (gather)
    embedded = jnp.take(table, input_ids, axis=0)  # [B, L, D]
    # mean pool over sequence dim
    pooled = jnp.mean(embedded, axis=1)  # [B, D]
    # linear: y = pooled @ W^T + b (torch.nn.Linear convention)
    logits = pooled @ W.T + b  # [B, 2]
    return logits

if __name__ == "__main__":
    import jax
    _d = setup_inputs()
    print(jax.jit(kernel)(*tuple(_d.values())))

</pallas_src>

<mosaic_0001>
#map = affine_map<(d0, d1) -> (0, 0)>
#map1 = affine_map<(d0, d1) -> (0)>
module attributes {stable_mosaic.version = 14 : i64} {
  func.func @sc_pool(%arg0: i32, %arg1: i32, %arg2: memref<2x1024xf32, #tpu.memory_space<hbm>>, %arg3: memref<819200xi32, #tpu.memory_space<hbm>>, %arg4: memref<4096xf32, #tpu.memory_space<hbm>>, %arg5: memref<4096xf32, #tpu.memory_space<hbm>>, %arg6: memref<1024xf32, #tpu.memory_space<vmem>>, %arg7: memref<1024xf32, #tpu.memory_space<vmem>>, %arg8: memref<25600xi32, #tpu.memory_space<vmem>>, %arg9: memref<128xf32, #tpu.memory_space<vmem>>, %arg10: memref<128xf32, #tpu.memory_space<vmem>>) attributes {dimension_semantics = [#tpu.dimension_semantics<core_parallel>, #tpu.dimension_semantics<subcore_parallel>], iteration_bounds = array<i64: 2, 16>, scalar_prefetch = 0 : i64, scratch_operands = 5 : i64, tpu.core_type = #tpu.core_type<sc_vector_subcore>, window_params = [{transform_indices = #map}, {transform_indices = #map1}, {transform_indices = #map1}, {transform_indices = #map1}]} {
    %mul3A = arith.constant 2 : i32
    %mul3A_0 = arith.muli %arg1, %mul3A : i32
    %add3A = arith.addi %mul3A_0, %arg0 : i32
    %mul3A_1 = arith.constant 25600 : i32
    %mul3A_2 = arith.muli %add3A, %mul3A_1 : i32
    %run_scoped3A = arith.constant 0 : i32
    "tpu.region"() ({
      %run_scoped3A_16 = tpu.sem_alloc : memref<!tpu.dma_semaphore, #tpu.memory_space<semaphore_mem>>
      %dma_start3A = arith.constant 0 : i32
      %dma_start3A_17 = tpu.memref_slice %arg2[%run_scoped3A, %dma_start3A] : memref<2x1024xf32, #tpu.memory_space<hbm>> -> memref<1x1024xf32, #tpu.memory_space<hbm>>
      %dma_start3A_18 = tpu.memref_squeeze %dma_start3A_17 : memref<1x1024xf32, #tpu.memory_space<hbm>> -> memref<1024xf32, #tpu.memory_space<hbm>>
      %dma_start3A_19 = arith.constant 0 : i32
      %dma_start3A_20 = tpu.memref_slice %arg2[%run_scoped3A, %dma_start3A_19] : memref<2x1024xf32, #tpu.memory_space<hbm>> -> memref<1x1024xf32, #tpu.memory_space<hbm>>
      %dma_start3A_21 = tpu.memref_squeeze %dma_start3A_20 : memref<1x1024xf32, #tpu.memory_space<hbm>> -> memref<1024xf32, #tpu.memory_space<hbm>>
      tpu.enqueue_dma source(%dma_start3A_21 : memref<1024xf32, #tpu.memory_space<hbm>>) target(%arg6 : memref<1024xf32, #tpu.memory_space<vmem>>) target_semaphore(%run_scoped3A_16 : memref<!tpu.dma_semaphore, #tpu.memory_space<semaphore_mem>>)
      %dma_wait3A = arith.constant 0 : i32
      %dma_wait3A_22 = tpu.memref_slice %arg2[%run_scoped3A, %dma_wait3A] : memref<2x1024xf32, #tpu.memory_space<hbm>> -> memref<1x1024xf32, #tpu.memory_space<hbm>>
      %dma_wait3A_23 = tpu.memref_squeeze %dma_wait3A_22 : memref<1x1024xf32, #tpu.memory_space<hbm>> -> memref<1024xf32, #tpu.memory_space<hbm>>
      %dma_wait3A_24 = arith.constant 0 : i32
      %dma_wait3A_25 = tpu.memref_slice %arg2[%run_scoped3A, %dma_wait3A_24] : memref<2x1024xf32, #tpu.memory_space<hbm>> -> memref<1x1024xf32, #tpu.memory_space<hbm>>
      %dma_wait3A_26 = tpu.memref_squeeze %dma_wait3A_25 : memref<1x1024xf32, #tpu.memory_space<hbm>> -> memref<1024xf32, #tpu.memory_space<hbm>>
      tpu.wait_dma2 semaphore(%run_scoped3A_16 : memref<!tpu.dma_semaphore, #tpu.memory_space<semaphore_mem>>) src(%dma_wait3A_26 : memref<1024xf32, #tpu.memory_space<hbm>>) dst(%arg6 : memref<1024xf32, #tpu.memory_space<vmem>>)
      tpu.yield
    }) : () -> ()
    %run_scoped3A_3 = arith.constant 1 : i32
    "tpu.region"() ({
      %run_scoped3A_16 = tpu.sem_alloc : memref<!tpu.dma_semaphore, #tpu.memory_space<semaphore_mem>>
      %dma_start3A = arith.constant 0 : i32
      %dma_start3A_17 = tpu.memref_slice %arg2[%run_scoped3A_3, %dma_start3A] : memref<2x1024xf32, #tpu.memory_space<hbm>> -> memref<1x1024xf32, #tpu.memory_space<hbm>>
      %dma_start3A_18 = tpu.memref_squeeze %dma_start3A_17 : memref<1x1024xf32, #tpu.memory_space<hbm>> -> memref<1024xf32, #tpu.memory_space<hbm>>
      %dma_start3A_19 = arith.constant 0 : i32
      %dma_start3A_20 = tpu.memref_slice %arg2[%run_scoped3A_3, %dma_start3A_19] : memref<2x1024xf32, #tpu.memory_space<hbm>> -> memref<1x1024xf32, #tpu.memory_space<hbm>>
      %dma_start3A_21 = tpu.memref_squeeze %dma_start3A_20 : memref<1x1024xf32, #tpu.memory_space<hbm>> -> memref<1024xf32, #tpu.memory_space<hbm>>
      tpu.enqueue_dma source(%dma_start3A_21 : memref<1024xf32, #tpu.memory_space<hbm>>) target(%arg7 : memref<1024xf32, #tpu.memory_space<vmem>>) target_semaphore(%run_scoped3A_16 : memref<!tpu.dma_semaphore, #tpu.memory_space<semaphore_mem>>)
      %dma_wait3A = arith.constant 0 : i32
      %dma_wait3A_22 = tpu.memref_slice %arg2[%run_scoped3A_3, %dma_wait3A] : memref<2x1024xf32, #tpu.memory_space<hbm>> -> memref<1x1024xf32, #tpu.memory_space<hbm>>
      %dma_wait3A_23 = tpu.memref_squeeze %dma_wait3A_22 : memref<1x1024xf32, #tpu.memory_space<hbm>> -> memref<1024xf32, #tpu.memory_space<hbm>>
      %dma_wait3A_24 = arith.constant 0 : i32
      %dma_wait3A_25 = tpu.memref_slice %arg2[%run_scoped3A_3, %dma_wait3A_24] : memref<2x1024xf32, #tpu.memory_space<hbm>> -> memref<1x1024xf32, #tpu.memory_space<hbm>>
      %dma_wait3A_26 = tpu.memref_squeeze %dma_wait3A_25 : memref<1x1024xf32, #tpu.memory_space<hbm>> -> memref<1024xf32, #tpu.memory_space<hbm>>
      tpu.wait_dma2 semaphore(%run_scoped3A_16 : memref<!tpu.dma_semaphore, #tpu.memory_space<semaphore_mem>>) src(%dma_wait3A_26 : memref<1024xf32, #tpu.memory_space<hbm>>) dst(%arg7 : memref<1024xf32, #tpu.memory_space<vmem>>)
      tpu.yield
    }) : () -> ()
    "tpu.region"() ({
      %run_scoped3A_16 = tpu.sem_alloc : memref<!tpu.dma_semaphore, #tpu.memory_space<semaphore_mem>>
      %dma_start3A = tpu.memref_slice %arg3[%mul3A_2] : memref<819200xi32, #tpu.memory_space<hbm>> -> memref<25600xi32, #tpu.memory_space<hbm>>
      %dma_start3A_17 = tpu.memref_slice %arg3[%mul3A_2] : memref<819200xi32, #tpu.memory_space<hbm>> -> memref<25600xi32, #tpu.memory_space<hbm>>
      tpu.enqueue_dma source(%dma_start3A_17 : memref<25600xi32, #tpu.memory_space<hbm>>) target(%arg8 : memref<25600xi32, #tpu.memory_space<vmem>>) target_semaphore(%run_scoped3A_16 : memref<!tpu.dma_semaphore, #tpu.memory_space<semaphore_mem>>)
      %dma_wait3A = tpu.memref_slice %arg3[%mul3A_2] : memref<819200xi32, #tpu.memory_space<hbm>> -> memref<25600xi32, #tpu.memory_space<hbm>>
      %dma_wait3A_18 = tpu.memref_slice %arg3[%mul3A_2] : memref<819200xi32, #tpu.memory_space<hbm>> -> memref<25600xi32, #tpu.memory_space<hbm>>
      tpu.wait_dma2 semaphore(%run_scoped3A_16 : memref<!tpu.dma_semaphore, #tpu.memory_space<semaphore_mem>>) src(%dma_wait3A_18 : memref<25600xi32, #tpu.memory_space<hbm>>) dst(%arg8 : memref<25600xi32, #tpu.memory_space<vmem>>)
      tpu.yield
    }) : () -> ()
    %iota3A = tpu.iota {dimensions = array<i32: 0>} : vector<16xi32>
    %mul3A_4 = arith.constant 200 : i32
    %mul3A_5 = vector.broadcast %mul3A_4 : i32 to vector<16xi32>
    %mul3A_6 = arith.muli %iota3A, %mul3A_5 : vector<16xi32>
    %scan3A = arith.constant 0 : i32
    %scan3A_7 = arith.constant 0 : i32
    %scan3A_8 = arith.constant 8 : i32
    %scan3A_9 = arith.addi %scan3A_7, %scan3A_8 : i32
    %scan3A_10 = arith.constant 1 : i32
    scf.for %scan3A_16 = %scan3A_7 to %scan3A_9 step %scan3A_10  : i32 {
      %mul3A_17 = arith.constant 3200 : i32
      %mul3A_18 = arith.muli %scan3A_16, %mul3A_17 : i32
      %broadcast_in_dim3A = arith.constant 0.000000e+00 : f32
      %broadcast_in_dim3A_19 = vector.broadcast %broadcast_in_dim3A : f32 to vector<16xf32>
      %scan3A_20 = arith.constant 0 : i32
      %scan3A_21 = arith.constant 25 : i32
      %scan3A_22 = arith.addi %scan3A_20, %scan3A_21 : i32
      %scan3A_23 = arith.constant 1 : i32
      %scan3A_24:2 = scf.for %scan3A_33 = %scan3A_20 to %scan3A_22 step %scan3A_23 iter_args(%scan3A_34 = %broadcast_in_dim3A_19, %scan3A_35 = %broadcast_in_dim3A_19) -> (vector<16xf32>, vector<16xf32>)  : i32 {
        %mul3A_36 = arith.constant 8 : i32
        %mul3A_37 = arith.muli %scan3A_33, %mul3A_36 : i32
        %add3A_38 = arith.addi %mul3A_18, %mul3A_37 : i32
        %add3A_39 = arith.constant 0 : i32
        %add3A_40 = arith.addi %add3A_38, %add3A_39 : i32
        %add3A_41 = vector.broadcast %add3A_40 : i32 to vector<16xi32>
        %add3A_42 = arith.addi %mul3A_6, %add3A_41 : vector<16xi32>
        %gather3A = tpu.vector_load_idx %arg8[%add3A_42] : memref<25600xi32, #tpu.memory_space<vmem>>[vector<16xi32>], vector<16xi32>,
        %gather3A_43 = tpu.vector_load_idx %arg6[%gather3A] : memref<1024xf32, #tpu.memory_space<vmem>>[vector<16xi32>], vector<16xf32>,
        %add3A_44 = arith.addf %scan3A_34, %gather3A_43 : vector<16xf32>
        %gather3A_45 = tpu.vector_load_idx %arg7[%gather3A] : memref<1024xf32, #tpu.memory_space<vmem>>[vector<16xi32>], vector<16xf32>,
        %add3A_46 = arith.addf %scan3A_35, %gather3A_45 : vector<16xf32>
        %mul3A_47 = arith.constant 8 : i32
        %mul3A_48 = arith.muli %scan3A_33, %mul3A_47 : i32
        %add3A_49 = arith.addi %mul3A_18, %mul3A_48 : i32
        %add3A_50 = arith.constant 1 : i32
        %add3A_51 = arith.addi %add3A_49, %add3A_50 : i32
        %add3A_52 = vector.broadcast %add3A_51 : i32 to vector<16xi32>
        %add3A_53 = arith.addi %mul3A_6, %add3A_52 : vector<16xi32>
        %gather3A_54 = tpu.vector_load_idx %arg8[%add3A_53] : memref<25600xi32, #tpu.memory_space<vmem>>[vector<16xi32>], vector<16xi32>,
        %gather3A_55 = tpu.vector_load_idx %arg6[%gather3A_54] : memref<1024xf32, #tpu.memory_space<vmem>>[vector<16xi32>], vector<16xf32>,
        %add3A_56 = arith.addf %add3A_44, %gather3A_55 : vector<16xf32>
        %gather3A_57 = tpu.vector_load_idx %arg7[%gather3A_54] : memref<1024xf32, #tpu.memory_space<vmem>>[vector<16xi32>], vector<16xf32>,
        %add3A_58 = arith.addf %add3A_46, %gather3A_57 : vector<16xf32>
        %mul3A_59 = arith.constant 8 : i32
        %mul3A_60 = arith.muli %scan3A_33, %mul3A_59 : i32
        %add3A_61 = arith.addi %mul3A_18, %mul3A_60 : i32
        %add3A_62 = arith.constant 2 : i32
        %add3A_63 = arith.addi %add3A_61, %add3A_62 : i32
        %add3A_64 = vector.broadcast %add3A_63 : i32 to vector<16xi32>
        %add3A_65 = arith.addi %mul3A_6, %add3A_64 : vector<16xi32>
        %gather3A_66 = tpu.vector_load_idx %arg8[%add3A_65] : memref<25600xi32, #tpu.memory_space<vmem>>[vector<16xi32>], vector<16xi32>,
        %gather3A_67 = tpu.vector_load_idx %arg6[%gather3A_66] : memref<1024xf32, #tpu.memory_space<vmem>>[vector<16xi32>], vector<16xf32>,
        %add3A_68 = arith.addf %add3A_56, %gather3A_67 : vector<16xf32>
        %gather3A_69 = tpu.vector_load_idx %arg7[%gather3A_66] : memref<1024xf32, #tpu.memory_space<vmem>>[vector<16xi32>], vector<16xf32>,
        %add3A_70 = arith.addf %add3A_58, %gather3A_69 : vector<16xf32>
        %mul3A_71 = arith.constant 8 : i32
        %mul3A_72 = arith.muli %scan3A_33, %mul3A_71 : i32
        %add3A_73 = arith.addi %mul3A_18, %mul3A_72 : i32
        %add3A_74 = arith.constant 3 : i32
        %add3A_75 = arith.addi %add3A_73, %add3A_74 : i32
        %add3A_76 = vector.broadcast %add3A_75 : i32 to vector<16xi32>
        %add3A_77 = arith.addi %mul3A_6, %add3A_76 : vector<16xi32>
        %gather3A_78 = tpu.vector_load_idx %arg8[%add3A_77] : memref<25600xi32, #tpu.memory_space<vmem>>[vector<16xi32>], vector<16xi32>,
        %gather3A_79 = tpu.vector_load_idx %arg6[%gather3A_78] : memref<1024xf32, #tpu.memory_space<vmem>>[vector<16xi32>], vector<16xf32>,
        %add3A_80 = arith.addf %add3A_68, %gather3A_79 : vector<16xf32>
        %gather3A_81 = tpu.vector_load_idx %arg7[%gather3A_78] : memref<1024xf32, #tpu.memory_space<vmem>>[vector<16xi32>], vector<16xf32>,
        %add3A_82 = arith.addf %add3A_70, %gather3A_81 : vector<16xf32>
        %mul3A_83 = arith.constant 8 : i32
        %mul3A_84 = arith.muli %scan3A_33, %mul3A_83 : i32
        %add3A_85 = arith.addi %mul3A_18, %mul3A_84 : i32
        %add3A_86 = arith.constant 4 : i32
        %add3A_87 = arith.addi %add3A_85, %add3A_86 : i32
        %add3A_88 = vector.broadcast %add3A_87 : i32 to vector<16xi32>
        %add3A_89 = arith.addi %mul3A_6, %add3A_88 : vector<16xi32>
        %gather3A_90 = tpu.vector_load_idx %arg8[%add3A_89] : memref<25600xi32, #tpu.memory_space<vmem>>[vector<16xi32>], vector<16xi32>,
        %gather3A_91 = tpu.vector_load_idx %arg6[%gather3A_90] : memref<1024xf32, #tpu.memory_space<vmem>>[vector<16xi32>], vector<16xf32>,
        %add3A_92 = arith.addf %add3A_80, %gather3A_91 : vector<16xf32>
        %gather3A_93 = tpu.vector_load_idx %arg7[%gather3A_90] : memref<1024xf32, #tpu.memory_space<vmem>>[vector<16xi32>], vector<16xf32>,
        %add3A_94 = arith.addf %add3A_82, %gather3A_93 : vector<16xf32>
        %mul3A_95 = arith.constant 8 : i32
        %mul3A_96 = arith.muli %scan3A_33, %mul3A_95 : i32
        %add3A_97 = arith.addi %mul3A_18, %mul3A_96 : i32
        %add3A_98 = arith.constant 5 : i32
        %add3A_99 = arith.addi %add3A_97, %add3A_98 : i32
        %add3A_100 = vector.broadcast %add3A_99 : i32 to vector<16xi32>
        %add3A_101 = arith.addi %mul3A_6, %add3A_100 : vector<16xi32>
        %gather3A_102 = tpu.vector_load_idx %arg8[%add3A_101] : memref<25600xi32, #tpu.memory_space<vmem>>[vector<16xi32>], vector<16xi32>,
        %gather3A_103 = tpu.vector_load_idx %arg6[%gather3A_102] : memref<1024xf32, #tpu.memory_space<vmem>>[vector<16xi32>], vector<16xf32>,
        %add3A_104 = arith.addf %add3A_92, %gather3A_103 : vector<16xf32>
        %gather3A_105 = tpu.vector_load_idx %arg7[%gather3A_102] : memref<1024xf32, #tpu.memory_space<vmem>>[vector<16xi32>], vector<16xf32>,
        %add3A_106 = arith.addf %add3A_94, %gather3A_105 : vector<16xf32>
        %mul3A_107 = arith.constant 8 : i32
        %mul3A_108 = arith.muli %scan3A_33, %mul3A_107 : i32
        %add3A_109 = arith.addi %mul3A_18, %mul3A_108 : i32
        %add3A_110 = arith.constant 6 : i32
        %add3A_111 = arith.addi %add3A_109, %add3A_110 : i32
        %add3A_112 = vector.broadcast %add3A_111 : i32 to vector<16xi32>
        %add3A_113 = arith.addi %mul3A_6, %add3A_112 : vector<16xi32>
        %gather3A_114 = tpu.vector_load_idx %arg8[%add3A_113] : memref<25600xi32, #tpu.memory_space<vmem>>[vector<16xi32>], vector<16xi32>,
        %gather3A_115 = tpu.vector_load_idx %arg6[%gather3A_114] : memref<1024xf32, #tpu.memory_space<vmem>>[vector<16xi32>], vector<16xf32>,
        %add3A_116 = arith.addf %add3A_104, %gather3A_115 : vector<16xf32>
        %gather3A_117 = tpu.vector_load_idx %arg7[%gather3A_114] : memref<1024xf32, #tpu.memory_space<vmem>>[vector<16xi32>], vector<16xf32>,
        %add3A_118 = arith.addf %add3A_106, %gather3A_117 : vector<16xf32>
        %mul3A_119 = arith.constant 8 : i32
        %mul3A_120 = arith.muli %scan3A_33, %mul3A_119 : i32
        %add3A_121 = arith.addi %mul3A_18, %mul3A_120 : i32
        %add3A_122 = arith.constant 7 : i32
        %add3A_123 = arith.addi %add3A_121, %add3A_122 : i32
        %add3A_124 = vector.broadcast %add3A_123 : i32 to vector<16xi32>
        %add3A_125 = arith.addi %mul3A_6, %add3A_124 : vector<16xi32>
        %gather3A_126 = tpu.vector_load_idx %arg8[%add3A_125] : memref<25600xi32, #tpu.memory_space<vmem>>[vector<16xi32>], vector<16xi32>,
        %gather3A_127 = tpu.vector_load_idx %arg6[%gather3A_126] : memref<1024xf32, #tpu.memory_space<vmem>>[vector<16xi32>], vector<16xf32>,
        %add3A_128 = arith.addf %add3A_116, %gather3A_127 : vector<16xf32>
        %gather3A_129 = tpu.vector_load_idx %arg7[%gather3A_126] : memref<1024xf32, #tpu.memory_space<vmem>>[vector<16xi32>], vector<16xf32>,
        %add3A_130 = arith.addf %add3A_118, %gather3A_129 : vector<16xf32>
        scf.yield %add3A_128, %add3A_130 : vector<16xf32>, vector<16xf32>
      }
      %scan3A_25 = arith.constant 25 : i32
      %mul3A_26 = arith.constant 16 : i32
      %mul3A_27 = arith.muli %scan3A_16, %mul3A_26 : i32
      %swap3A = arith.index_cast %mul3A_27 : i32 to index
      %swap3A_28 = tpu.vector_load %arg9[%swap3A] {strides = array<i32>} : memref<128xf32, #tpu.memory_space<vmem>>, vector<16xf32>,
      tpu.vector_store %arg9[%swap3A], %scan3A_24#0 {strides = array<i32>} : memref<128xf32, #tpu.memory_space<vmem>>, vector<16xf32>,
      %mul3A_29 = arith.constant 16 : i32
      %mul3A_30 = arith.muli %scan3A_16, %mul3A_29 : i32
      %swap3A_31 = arith.index_cast %mul3A_30 : i32 to index
      %swap3A_32 = tpu.vector_load %arg10[%swap3A_31] {strides = array<i32>} : memref<128xf32, #tpu.memory_space<vmem>>, vector<16xf32>,
      tpu.vector_store %arg10[%swap3A_31], %scan3A_24#1 {strides = array<i32>} : memref<128xf32, #tpu.memory_space<vmem>>, vector<16xf32>,
    }
    %scan3A_11 = arith.constant 8 : i32
    %mul3A_12 = arith.constant 128 : i32
    %mul3A_13 = arith.muli %add3A, %mul3A_12 : i32
    "tpu.region"() ({
      %run_scoped3A_16 = tpu.sem_alloc : memref<!tpu.dma_semaphore, #tpu.memory_space<semaphore_mem>>
      %dma_start3A = tpu.memref_slice %arg4[%mul3A_13] : memref<4096xf32, #tpu.memory_space<hbm>> -> memref<128xf32, #tpu.memory_space<hbm>>
      %dma_start3A_17 = tpu.memref_slice %arg4[%mul3A_13] : memref<4096xf32, #tpu.memory_space<hbm>> -> memref<128xf32, #tpu.memory_space<hbm>>
      tpu.enqueue_dma source(%arg9 : memref<128xf32, #tpu.memory_space<vmem>>) target(%dma_start3A_17 : memref<128xf32, #tpu.memory_space<hbm>>) target_semaphore(%run_scoped3A_16 : memref<!tpu.dma_semaphore, #tpu.memory_space<semaphore_mem>>)
      %dma_wait3A = tpu.memref_slice %arg4[%mul3A_13] : memref<4096xf32, #tpu.memory_space<hbm>> -> memref<128xf32, #tpu.memory_space<hbm>>
      %dma_wait3A_18 = tpu.memref_slice %arg4[%mul3A_13] : memref<4096xf32, #tpu.memory_space<hbm>> -> memref<128xf32, #tpu.memory_space<hbm>>
      tpu.wait_dma2 semaphore(%run_scoped3A_16 : memref<!tpu.dma_semaphore, #tpu.memory_space<semaphore_mem>>) src(%arg9 : memref<128xf32, #tpu.memory_space<vmem>>) dst(%dma_wait3A_18 : memref<128xf32, #tpu.memory_space<hbm>>)
      tpu.yield
    }) : () -> ()
    %mul3A_14 = arith.constant 128 : i32
    %mul3A_15 = arith.muli %add3A, %mul3A_14 : i32
    "tpu.region"() ({
      %run_scoped3A_16 = tpu.sem_alloc : memref<!tpu.dma_semaphore, #tpu.memory_space<semaphore_mem>>
      %dma_start3A = tpu.memref_slice %arg5[%mul3A_15] : memref<4096xf32, #tpu.memory_space<hbm>> -> memref<128xf32, #tpu.memory_space<hbm>>
      %dma_start3A_17 = tpu.memref_slice %arg5[%mul3A_15] : memref<4096xf32, #tpu.memory_space<hbm>> -> memref<128xf32, #tpu.memory_space<hbm>>
      tpu.enqueue_dma source(%arg10 : memref<128xf32, #tpu.memory_space<vmem>>) target(%dma_start3A_17 : memref<128xf32, #tpu.memory_space<hbm>>) target_semaphore(%run_scoped3A_16 : memref<!tpu.dma_semaphore, #tpu.memory_space<semaphore_mem>>)
      %dma_wait3A = tpu.memref_slice %arg5[%mul3A_15] : memref<4096xf32, #tpu.memory_space<hbm>> -> memref<128xf32, #tpu.memory_space<hbm>>
      %dma_wait3A_18 = tpu.memref_slice %arg5[%mul3A_15] : memref<4096xf32, #tpu.memory_space<hbm>> -> memref<128xf32, #tpu.memory_space<hbm>>
      tpu.wait_dma2 semaphore(%run_scoped3A_16 : memref<!tpu.dma_semaphore, #tpu.memory_space<semaphore_mem>>) src(%arg10 : memref<128xf32, #tpu.memory_space<vmem>>) dst(%dma_wait3A_18 : memref<128xf32, #tpu.memory_space<hbm>>)
      tpu.yield
    }) : () -> ()
    return
  }
}

module attributes {stable_mosaic.version = 14 : i64} {
  func.func @_project_body(%arg0: memref<2x128xf32, #tpu.memory_space<vmem>>, %arg1: memref<1000x128xf32, #tpu.memory_space<vmem>>, %arg2: memref<2x1xf32, #tpu.memory_space<vmem>>, %arg3: memref<2x1000xf32, #tpu.memory_space<vmem>>) attributes {dimension_semantics = [], scalar_prefetch = 0 : i64, scratch_operands = 0 : i64, tpu.core_type = #tpu.core_type<tc>} {
    %get3A = arith.constant 0 : index
    %get3A_0 = arith.constant 0 : index
    %get3A_1 = vector.load %arg0[%get3A, %get3A_0] : memref<2x128xf32, #tpu.memory_space<vmem>>, vector<2x128xf32>
    %get3A_2 = arith.constant 0 : index
    %get3A_3 = arith.constant 0 : index
    %get3A_4 = vector.load %arg1[%get3A_2, %get3A_3] : memref<1000x128xf32, #tpu.memory_space<vmem>>, vector<1000x128xf32>
    %dot_general3A = arith.constant dense<0.000000e+00> : vector<2x1000xf32>
    %dot_general3A_5 = tpu.matmul %get3A_1, %get3A_4, %dot_general3A {dimension_numbers = #tpu.dot_dimension_numbers<[1], [1], [0], [0], [0, 0, 1, 0], [], []>, transpose_lhs_hint = false} : vector<2x128xf32>, vector<1000x128xf32>, vector<2x1000xf32> -> vector<2x1000xf32>
    %get3A_6 = arith.constant 0 : index
    %get3A_7 = arith.constant 0 : index
    %get3A_8 = vector.load %arg2[%get3A_6, %get3A_7] : memref<2x1xf32, #tpu.memory_space<vmem>>, vector<2x1xf32>
    %add3A = vector.broadcast %get3A_8 : vector<2x1xf32> to vector<2x1000xf32>
    %add3A_9 = arith.addf %dot_general3A_5, %add3A : vector<2x1000xf32>
    %mul3A = arith.constant 5.000000e-03 : f32
    %mul3A_10 = vector.broadcast %mul3A : f32 to vector<2x1000xf32>
    %mul3A_11 = arith.mulf %add3A_9, %mul3A_10 : vector<2x1000xf32>
    %swap3A = arith.constant 0 : index
    %swap3A_12 = arith.constant 0 : index
    %swap3A_13 = vector.load %arg3[%swap3A, %swap3A_12] : memref<2x1000xf32, #tpu.memory_space<vmem>>, vector<2x1000xf32>
    tpu.vector_store %arg3[%swap3A, %swap3A_12], %mul3A_11 {strides = array<i32>} : memref<2x1000xf32, #tpu.memory_space<vmem>>, vector<2x1000xf32>,
    return
  }
}

</mosaic_0001>

<sc_bundles>
// kernel: kernel.4.cloned.1.call-start
scs
__scs_entry_jumppad:
0x0: {  	(pc) =	sbr.rel $0x88, $3  }
0x1: {  	(tag) =	ssettag $0x0;
	lr =	simm.s32 $0x1  }
0x2: {  	[smem:$0x3F9D] =	sst lr;
	_ =	strace $0xD0000000  }
0x3: {  	_ = 	snop  }
0x4: {  	_ = 	snop  }
0x5: {  	_ = 	snop  }
0x6: {  	_ = 	snop  }
0x7: {  	_ = 	snop  }
__scs_overlays_trampoline_lowered:
0x8: {  	[smem:$0x3FAC] =	sst s0  }
0x9: {  	[smem:$0x3FAD] =	sst s1  }
0xa: {  	[smem:$0x3FAE] =	sst s2  }
0xb: {  	[smem:$0x3FAF] =	sst s3  }
0xc: {  	[smem:$0x3FB0] =	sst s4  }
0xd: {  	[smem:$0x3FB1] =	sst s5  }
0xe: {  	[smem:$0x3FB2] =	sst s6  }
0xf: {  	[smem:$0x3FB3] =	sst s7  }
0x10: {  	[smem:$0x3FB4] =	sst s8  }
0x11: {  	[smem:$0x3FB5] =	sst s9;
	s0 =	simm.s32 @!p0 $0x0  }
0x12: {  	s1 =	sld [smem:$0x3F9B];
	s0 =	simm.s32 @p0 $0x1  }
0x13: {  	[smem:$0x3FB6] =	sst s0;
	s0 =	simm.s32 @!p1 $0x0  }
0x14: {  	s2 =	sld [smem:$0x3F9A];
	s0 =	simm.s32 @p1 $0x1  }
0x15: {  	[smem:$0x3FB7] =	sst s0;
	s0 =	simm.s32 @!p2 $0x0  }
0x16: {  	s3 =	sld [smem:$0x3FDB];
	s0 =	simm.s32 @p2 $0x1  }
0x17: {  	s4 =	simm.s32 $0x1BF5;
	[smem:$0x3FB9] =	sst s0  }
0x18: {  	s0 =	sld [smem:$0x3F9C];
	_ =	swait.ge [sflag:s4], $0x0  }
0x19: {  	s7 =	sld [smem:$0x3F9D]  }
0x1a: {  	s8 =	sadd.s32 $0xFFFFE003, lr  }
0x1b: {  	s9 =	sadd.s32 $0xFFFFFEF7, lr;
	s5 =	simm.s32 $0xFFFFFFFF;
	p2 =	slt.u32 s8, $0xFFFFF086  }
0x1c: {  	p1 =	slt.u32 s9, $0xF7A;
	s5 =	simm.s32 @!p2 $0x0  }
0x1d: {  	s5 =	simm.s32 @p1 $0x1;
	p0 =	seq.s32 s7, s2  }
0x1e: {  	s7 =	smul.u32 @!p0 $0xF7A, s2;
	p2 =	seq.s32 @!p0 s5, $0x0  }
0x1f: {  	s9 =	smul.u32 $0xF7A, s1;
	s8 =	simm.s32 @!p0 $0x1BF5;
	p2 =	por !p2, p0  }
0x20: {  	[sflag:s8] =	ssyncset.s32 @!p0 $0xFFFFF086;
	s6 =	sadd.s32 @!p0 s3, s7;
	s7 =	simm.s32 @!p0 $0x108  }
0x21: {  	s3 =	sadd.s32 s3, s9;
	s6 =	sadd.s32 @!p0 $0x88, s6;
	s7 =	simm.s32 @p2 $0x1082  }
0x22: {  	[simem:s7], [sflag:s8] =	dma.local @!p0 [hbm:s6], $0xF7A  }
0x23: {  	s9 =	sor.u32 $0xD0000000, s2;
	s6 =	simm.s32 $0x108;
	_ =	swait.ge @!p0 [sflag:s8], $0x0  }
0x24: {  	s3 =	sadd.s32 $0x88, s3;
	s6 =	simm.s32 @!p1 $0x1082;
	[sflag:s4] =	ssyncset.s32 $0xFFFFF086  }
0x25: {  	[simem:s6], [sflag:s4] =	dma.local [hbm:s3], $0xF7A  }
0x26: {  	[smem:$0x3F9D] =	sst s1;
	(tag) =	ssettag s2;
	_ =	strace s9  }
0x27: {  	s1 =	sld [smem:$0x3FAD]  }
0x28: {  	s2 =	sld [smem:$0x3FAE]  }
0x29: {  	s4 =	sld [smem:$0x3FB0]  }
0x2a: {  	p0 =	seq.s32 s5, $0x0;
	s5 =	sld [smem:$0x3FB1]  }
0x2b: {  	s6 =	sld [smem:$0x3FB2]  }
0x2c: {  	s7 =	sld [smem:$0x3FB3]  }
0x2d: {  	s3 =	simm.s32 $0x108;
	s8 =	sld [smem:$0x3FB4]  }
0x2e: {  	s3 =	simm.s32 @!p0 $0x1082;
	s9 =	sld [smem:$0x3FB5]  }
0x2f: {  	lr =	sadd.s32 s0, s3;
	s0 =	sld [smem:$0x3FAC]  }
0x30: {  	s3 =	sld [smem:$0x3FAF]  }
0x31: {  	[smem:$0x3FB8] =	sst s10  }
0x32: {  	s10 =	sld [smem:$0x3FB6];
	_ =	sdelay $0x3  }
0x33: {  	p0 =	seq.s32 s10, $0x1;
	s10 =	sld [smem:$0x3FB8];
	_ =	sdelay $0x3  }
0x34: {  	[smem:$0x3FB8] =	sst s10  }
0x35: {  	s10 =	sld [smem:$0x3FB7];
	_ =	sdelay $0x3  }
0x36: {  	p1 =	seq.s32 s10, $0x1;
	s10 =	sld [smem:$0x3FB8];
	_ =	sdelay $0x3  }
0x37: {  	[smem:$0x3FB8] =	sst s10  }
0x38: {  	s10 =	sld [smem:$0x3FB9]  }
0x39: {  	_ = 	snop;
	(pc) =	sbr.ind lr, $3  }
0x3a: {  	_ = 	snop  }
0x3b: {  	_ = 	snop  }
0x3c: {  	p2 =	seq.s32 s10, $0x1;
	s10 =	sld [smem:$0x3FB8]  }
0x3d: {  	_ =	shalt  }
0x3e: {  	_ =	shalt  }
0x3f: {  	_ =	shalt  }
0x40: {  	_ =	shalt  }
0x41: {  	_ =	shalt  }
0x42: {  	_ =	shalt  }
0x43: {  	_ =	shalt  }
0x44: {  	_ =	shalt  }
0x45: {  	_ =	shalt  }
0x46: {  	_ =	shalt  }
0x47: {  	_ =	shalt  }
0x48: {  	_ =	shalt  }
0x49: {  	_ =	shalt  }
0x4a: {  	_ =	shalt  }
0x4b: {  	_ =	shalt  }
0x4c: {  	_ =	shalt  }
0x4d: {  	_ =	shalt  }
0x4e: {  	_ =	shalt  }
0x4f: {  	_ =	shalt  }
0x50: {  	_ =	shalt  }
0x51: {  	_ =	shalt  }
0x52: {  	_ =	shalt  }
0x53: {  	_ =	shalt  }
0x54: {  	_ =	shalt  }
0x55: {  	_ =	shalt  }
0x56: {  	_ =	shalt  }
0x57: {  	_ =	shalt  }
0x58: {  	_ =	shalt  }
0x59: {  	_ =	shalt  }
0x5a: {  	_ =	shalt  }
0x5b: {  	_ =	shalt  }
0x5c: {  	_ =	shalt  }
0x5d: {  	_ =	shalt  }
0x5e: {  	_ =	shalt  }
0x5f: {  	_ =	shalt  }
0x60: {  	_ =	shalt  }
0x61: {  	_ =	shalt  }
0x62: {  	_ =	shalt  }
0x63: {  	_ =	shalt  }
0x64: {  	_ =	shalt  }
0x65: {  	_ =	shalt  }
0x66: {  	_ =	shalt  }
0x67: {  	_ =	shalt  }
0x68: {  	_ =	shalt  }
0x69: {  	_ =	shalt  }
0x6a: {  	_ =	shalt  }
0x6b: {  	_ =	shalt  }
0x6c: {  	_ =	shalt  }
0x6d: {  	_ =	shalt  }
0x6e: {  	_ =	shalt  }
0x6f: {  	_ =	shalt  }
0x70: {  	_ =	shalt  }
0x71: {  	_ =	shalt  }
0x72: {  	_ =	shalt  }
0x73: {  	_ =	shalt  }
0x74: {  	_ =	shalt  }
0x75: {  	_ =	shalt  }
0x76: {  	_ =	shalt  }
0x77: {  	_ =	shalt  }
0x78: {  	_ =	shalt  }
0x79: {  	_ =	shalt  }
0x7a: {  	_ =	shalt  }
0x7b: {  	_ =	shalt  }
0x7c: {  	_ =	shalt  }
0x7d: {  	_ =	shalt  }
0x7e: {  	_ =	shalt  }
0x7f: {  	_ =	shalt  }
0x80: {  	_ =	shalt  }
0x81: {  	_ =	shalt  }
0x82: {  	_ =	shalt  }
0x83: {  	_ =	shalt  }
0x84: {  	_ =	shalt  }
0x85: {  	_ =	shalt  }
0x86: {  	_ =	shalt  }
0x87: {  	_ =	shalt  }
.Lfunc_end0:
.L_simem_size_0:
called_computation_lowered:
.L_overlay_start_0:
0x88: {  	s2 =	sld [smem:$0x3FD9]  }
0x89: {  	s3 =	sld [smem:$0x3FFE];
	_ =	sdelay $0x1  }
0x8a: {  	s1 =	srdreg.scid  }
0x8b: {  	s0 =	sand.u32 $0x1, s1  }
0x8c: {  	s17 =	sshll.u32 s0, $0xA;
	s2 =	sadd.s32 s3, s2  }
0x8d: {  	s2 =	sadd.s32 s2, s17  }
0x8e: {  	[smem:$0x3FC4] =	sst s2  }
0x8f: {  	_ = 	snop  }
0x90: {  	s2 =	sld [smem:$0x3FD0];
	(tm) =	ssettm $0x1  }
0x91: {  	s18 =	sld [smem:$0x3FFB];
	_ =	sdelay $0x3  }
0x92: {  	_ =	strace s18  }
0x93: {  	s3 =	sld [smem:$0x3FFC];
	_ =	sdelay $0x3  }
0x94: {  	_ =	strace s3  }
0x95: {  	s3 =	sld [smem:$0x3FFD];
	_ =	sdelay $0x3  }
0x96: {  	_ =	strace s3  }
0x97: {  	_ =	strace $0x8FFFFFFF  }
0x98: {  	s19 =	sld [smem:$0x3FDB];
	_ =	sdelay $0x1  }
0x99: {  	s4 =	simm.s32 $_scs_section_size  }
0x9a: {  	s5 =	simm.s32 $_size__tile_overlayer_lowered;
	s6 =	simm.s32 $_tile_overlayer_lowered  }
0x9b: {  	s22 =	simm.s32 $0x1BFF;
	s21 =	sshll.u32 s6, $0x1;
	s3 =	sadd.s32 s4, s19  }
0x9c: {  	s7 =	simm.s32 $0x0;
	s20 =	sshll.u32 s5, $0x1;
	s5 =	sadd.s32 s21, s3  }
0x9d: {  	[timem:s7], [sflag:s22] =	dma.local [hbm:s5], s20  }
0x9e: {  	_ =	swait.ge [sflag:s22], s20  }
0x9f: {  	s4 =	ssub.s32 $0x0, s20;
	[sflag:s22] =	ssyncset.done $0x0  }
0xa0: {  	[sflag:s22] =	ssyncadd.s32 s4;
	_ =	sdelay $0x1  }
0xa1: {  	s23 =	simm.s32 $0x1B8B  }
0xa2: {  	_ =	swait.ge [sflag:s23], $0x1  }
0xa3: {  	[sflag:s23] =	ssyncset.done $0x0  }
0xa4: {  	s25 =	simm.s32 $0x1B8E;
	s24 =	sld [smem:$0x3FFE];
	[sflag:s23] =	ssyncadd.s32 $0xFFFFFFFF  }
0xa5: {  	s26 =	simm.s32 $execute0_lowered;
	[smem:$0x3FD2] =	sst s25  }
0xa6: {  	s5 =	sshll.u32 s26, $0x1;
	_ =	strace $0x80000046;
	[dreg:$0x1] =	wrdreg $0xFFFFFFFF  }
0xa7: {  	s28 =	simm.s32 $_size_execute0_lowered;
	s3 =	sadd.s32 s3, s5;
	[dreg:$0x0] =	wrdreg $0x0  }
0xa8: {  	s5 =	sshll.u32 s28, $0x1;
	[dreg:$0x2] =	wrdreg s3  }
0xa9: {  	[dreg:$0x3] =	wrdreg s5  }
0xaa: {  	[dreg:$0x4] =	wrdreg $0xC0  }
0xab: {  	_ =	task [dreg:s7], $0x5FFFF  }
0xac: {  	[dreg:$0x1] =	wrdreg $0xFFFFFFFF  }
0xad: {  	[dreg:$0x0] =	wrdreg $0x60  }
0xae: {  	[dreg:$0x2] =	wrdreg s2  }
0xaf: {  	[dreg:$0x3] =	wrdreg s24  }
0xb0: {  	[dreg:$0x4] =	wrdreg $0x9  }
0xb1: {  	_ =	task.clear_ibuf [dreg:s7], $0x5FFFF;
	_ =	strace $0x90000046  }
0xb2: {  	s29 =	simm.s32 $0x9;
	_ =	strace $0x80000048  }
0xb3: {  	_ =	swait.ge [sflag:s29], $0x1  }
0xb4: {  	[sflag:s29] =	ssyncadd.s32 $0xFFFFFFFF  }
0xb5: {  	_ =	strace $0x90000048  }
0xb6: {  	_ =	sfence  }
0xb7: {  	s30 =	sld [smem:$0x0];
	_ =	sdelay $0x2  }
0xb8: {  	s31 =	sshll.u32 s1, $0xD;
	s1 =	sshrl.u32 s1, $0x2  }
0xb9: {  	s3 =	sand.u32 $0x4000, s31;
	s1 =	sadd.s32 s1, s30  }
0xba: {  	s0 =	sor.u32 s3, s0;
	s1 =	sshll.u32 s1, $0x11  }
0xbb: {  	s0 =	sor.u32 s1, s0  }
0xbc: {  	s0 =	sadd.s32 $0x8F2B, s0  }
0xbd: {  	[sflag:s0] =	ssyncadd.remote.s32 $0x1  }
0xbe: {  	_ =	sfence.sel $0xFFFF  }
0xbf: {  	[dreg:$0x0] =	wrdreg $0xFFFFFFFF;
	(pc) =	sbr.abs _section_cstart, $3  }
0xc0: {  	[dreg:$0x1] =	wrdreg $0xFFFFFFFF  }
0xc1: {  	_ =	task.clear_ibuf [dreg:s7], $0x2FFFF;
	_ =	strace $0x9FFFFFFF  }
0xc2: {  	(tm) =	ssettm $0x7FFFFFFF  }
0xc3: {  	_ =	shalt  }
tec
execute0_lowered:
.L_overlay_start_1:
0x0: {  	(tag) =	ssettag $0x1  }
0x1: {  	s2 =	rddreg [dreg:$0x0];
	s1 =	srdreg.scid  }
0x2: {  	s0 =	stileid.u32;
	s4 =	rddreg [dreg:$0x1]  }
0x3: {  	s3 =	simm.s32 $0x0;
	s10 =	simm.s32 $0x100;
	s11 =	simm.s32 $0x1  }
0x4: {  	s12 =	simm.s32 $0x400;
	s13 =	simm.s32 $0x800;
	s14 =	simm.s32 $0x6C00  }
0x5: {  	s15 =	simm.s32 $0x6C80;
	s5 =	sand.u32 $0x1, s1;
	s6 =	sshll.u32 s0, $0x1  }
0x6: {  	s16 =	simm.s32 $0x0;
	s1 =	rddreg [dreg:$0x2];
	s6 =	sor.u32 s5, s6  }
0x7: {  	[smem:$0x7FF] =	sst s3;
	s5 =	ssub.s32 $0x2, s5;
	s7 =	smul.u32 $0xC80, s6  }
0x8: {  	_ =	strace $0x80000047;
	s6 =	sshll.u32 s6, $0x4;
	s8 =	sshrl.u32 s5, $0x1  }
0x9: {  	v0 =	vlaneseq.u32;
	s9 =	sadd.s32 s6, s4;
	s8 =	ssub.s32 s5, s8;
	s7 =	sadd.s32 s7, s4  }
0xa: {  	v0 =	vmul.u32 $0xC8, v0;
	s4 =	sadd.s32 $0x10, s2;
	s6 =	sadd.s32 $0x19E00, s9;
	s8 =	smax.u32 s8, $0x1  }
0xb: {  	s5 =	sadd.s32 $0xE00, s7;
	s7 =	sadd.s32 $0x1A000, s9;
	s9 =	simm.s32 $0x80  }
.LBB2_1:
0xc: {  	[tilespmem:s3], [sflag:$0x1] =	stream.strided.gather [hbm4b:s2+s9], $0x400, s10, s9, $0x38;
	[tilespmem:$0x6D00] =	vst v63  }
0xd: {  	_ =	swait.ge [sflag:s11], $0x400  }
0xe: {  	[sflag:s11] =	ssyncset.done $0x0  }
0xf: {  	[sflag:s11] =	ssyncadd.s32 $0xFFFFFC00  }
0x10: {  	[tilespmem:s12], [sflag:$0x1] =	stream.strided.gather [hbm4b:s4+s9], $0x400, s10, s9, $0x38;
	[tilespmem:$0x6D00] =	vst v63  }
0x11: {  	_ =	swait.ge [sflag:s11], $0x400  }
0x12: {  	[sflag:s11] =	ssyncset.done $0x0  }
0x13: {  	[sflag:s11] =	ssyncadd.s32 $0xFFFFFC00  }
0x14: {  	[tilespmem:s13], [sflag:$0x1] =	stream.linear.gather [hbm4b:s5+s3], $0x6400, $0x38;
	[tilespmem:$0x6D00] =	vst v63  }
0x15: {  	_ =	swait.ge [sflag:s11], $0x6400  }
0x16: {  	[sflag:s11] =	ssyncset.done $0x0  }
0x17: {  	s17 =	simm.s32 $0x0;
	s18 =	simm.s32 $0x0;
	[sflag:s11] =	ssyncadd.s32 $0xFFFF9C00  }
.LBB2_2:
0x18: {  	s19 =	sadd.s32 $0x0, s17  }
0x19: {  	v1 =	vadd.s32 s19, v0;
	s20 =	sadd.s32 $0x7, s19  }
0x1a: {  	s21 =	sadd.s32 $0x1, s19;
	v2 =	vadd.s32 s20, v0  }
0x1b: {  	s28 =	sadd.s32 $0x6, s19;
	v3 =	vadd.s32 s21, v0  }
0x1c: {  	s29 =	sadd.s32 $0x2, s19;
	v4 =	vadd.s32 s28, v0  }
0x1d: {  	s30 =	sadd.s32 $0x5, s19;
	v5 =	vadd.s32 s29, v0  }
0x1e: {  	s31 =	sadd.s32 $0x3, s19;
	v7 =	vadd.s32 s30, v0;
	v6 =	vld.idx.msk [tilespmem:v1+s13+$0x0], $0xffff  }
0x1f: {  	s19 =	sadd.s32 $0x4, s19;
	v8 =	vadd.s32 s31, v0;
	v1 =	vld.idx.msk [tilespmem:v2+s13+$0x0], $0xffff  }
0x20: {  	v9 =	vadd.s32 s19, v0;
	v3 =	vld.idx.msk [tilespmem:v3+s13+$0x0], $0xffff  }
0x21: {  	v2 =	vld.idx.msk [tilespmem:v4+s13+$0x0], $0xffff  }
0x22: {  	v4 =	vld.idx.msk [tilespmem:v5+s13+$0x0], $0xffff  }
0x23: {  	v7 =	vld.idx.msk [tilespmem:v7+s13+$0x0], $0xffff  }
0x24: {  	v8 =	vld.idx.msk [tilespmem:v8+s13+$0x0], $0xffff  }
0x25: {  	v9 =	vld.idx.msk [tilespmem:v9+s13+$0x0], $0xffff  }
0x26: {  	v10 =	vld.idx.msk [tilespmem:v6+s3+$0x0], $0xffff  }
0x27: {  	v6 =	vld.idx.msk [tilespmem:v6+s12+$0x0], $0xffff  }
0x28: {  	v11 =	vld.idx.msk [tilespmem:v3+s3+$0x0], $0xffff  }
0x29: {  	v3 =	vld.idx.msk [tilespmem:v3+s12+$0x0], $0xffff  }
0x2a: {  	v12 =	vld.idx.msk [tilespmem:v4+s3+$0x0], $0xffff  }
0x2b: {  	v13 =	vld.idx.msk [tilespmem:v4+s12+$0x0], $0xffff  }
0x2c: {  	v4 =	vimm.f32 $0.0e+00;
	v5 =	vld.idx.msk [tilespmem:v8+s3+$0x0], $0xffff  }
0x2d: {  	v8 =	vld.idx.msk [tilespmem:v8+s12+$0x0], $0xffff;
	v10 =	vadd.f32 v10, v4;
	v6 =	vadd.f32 v6, v4  }
0x2e: {  	v4 =	vld.idx.msk [tilespmem:v9+s3+$0x0], $0xffff  }
0x2f: {  	v10 =	vadd.f32 v11, v10;
	v14 =	vadd.f32 v3, v6;
	v6 =	vld.idx.msk [tilespmem:v9+s12+$0x0], $0xffff  }
0x30: {  	s20 =	sadd.s32 $0x8, s17;
	v3 =	vld.idx.msk [tilespmem:v7+s3+$0x0], $0xffff  }
0x31: {  	s19 =	simm.s32 $0x10;
	s21 =	sadd.s32 $0x7, s20;
	v9 =	vadd.s32 s20, v0;
	v7 =	vld.idx.msk [tilespmem:v7+s12+$0x0], $0xffff;
	v11 =	vadd.f32 v12, v10;
	v10 =	vadd.f32 v13, v14  }
.LBB2_3:
0x32: {  	p0 =	sne.s32 s19, $0xC0;
	s22 =	sadd.s32 $0x1, s20;
	v12 =	vadd.s32 s21, v0;
	v13 =	vld.idx.msk [tilespmem:v2+s3+$0x0], $0xffff  }
0x33: {  	s21 =	sadd.s32 $0x6, s20;
	v14 =	vadd.s32 s22, v0;
	v5 =	vadd.f32 v5, v11;
	v8 =	vadd.f32 v8, v10;
	v10 =	vld.idx.msk [tilespmem:v2+s12+$0x0], $0xffff  }
0x34: {  	s22 =	sadd.s32 $0x2, s20;
	v2 =	vadd.s32 s21, v0;
	v11 =	vld.idx.msk [tilespmem:v1+s3+$0x0], $0xffff  }
0x35: {  	s21 =	sadd.s32 $0x5, s20;
	v15 =	vadd.s32 s22, v0;
	v4 =	vadd.f32 v4, v5;
	v5 =	vadd.f32 v6, v8;
	v6 =	vld.idx.msk [tilespmem:v1+s12+$0x0], $0xffff  }
0x36: {  	s22 =	sadd.s32 $0x3, s20;
	v8 =	vld.idx.msk [tilespmem:v9+s13+$0x0], $0xffff;
	v9 =	vadd.s32 s21, v0  }
0x37: {  	s20 =	sadd.s32 $0x4, s20;
	v16 =	vadd.s32 s22, v0;
	v1 =	vld.idx.msk [tilespmem:v12+s13+$0x0], $0xffff;
	v3 =	vadd.f32 v3, v4;
	v4 =	vadd.f32 v7, v5  }
0x38: {  	v7 =	vadd.s32 s20, v0;
	v5 =	vld.idx.msk [tilespmem:v14+s13+$0x0], $0xffff  }
0x39: {  	v2 =	vld.idx.msk [tilespmem:v2+s13+$0x0], $0xffff;
	v3 =	vadd.f32 v13, v3;
	v4 =	vadd.f32 v10, v4  }
0x3a: {  	v10 =	vld.idx.msk [tilespmem:v15+s13+$0x0], $0xffff  }
0x3b: {  	v12 =	vld.idx.msk [tilespmem:v9+s13+$0x0], $0xffff;
	v3 =	vadd.f32 v11, v3;
	v4 =	vadd.f32 v6, v4  }
0x3c: {  	v6 =	vld.idx.msk [tilespmem:v16+s13+$0x0], $0xffff  }
0x3d: {  	v7 =	vld.idx.msk [tilespmem:v7+s13+$0x0], $0xffff  }
0x3e: {  	v9 =	vld.idx.msk [tilespmem:v8+s3+$0x0], $0xffff  }
0x3f: {  	v8 =	vld.idx.msk [tilespmem:v8+s12+$0x0], $0xffff  }
0x40: {  	v11 =	vld.idx.msk [tilespmem:v5+s3+$0x0], $0xffff  }
0x41: {  	v13 =	vld.idx.msk [tilespmem:v5+s12+$0x0], $0xffff  }
0x42: {  	v14 =	vld.idx.msk [tilespmem:v10+s3+$0x0], $0xffff  }
0x43: {  	v10 =	vld.idx.msk [tilespmem:v10+s12+$0x0], $0xffff  }
0x44: {  	v5 =	vld.idx.msk [tilespmem:v6+s3+$0x0], $0xffff  }
.Ltmp0:
0x45: {  	v3 =	vadd.f32 v9, v3;
	v9 =	vadd.f32 v8, v4;
	v8 =	vld.idx.msk [tilespmem:v6+s12+$0x0], $0xffff;
	(pc) =	sbr.rel @p0 .LBB2_3-.Ltmp0, $4  }
0x46: {  	v4 =	vld.idx.msk [tilespmem:v7+s3+$0x0], $0xffff  }
0x47: {  	v11 =	vadd.f32 v11, v3;
	v13 =	vadd.f32 v13, v9;
	v6 =	vld.idx.msk [tilespmem:v7+s12+$0x0], $0xffff  }
0x48: {  	s20 =	sadd.s32 s19, s17;
	v3 =	vld.idx.msk [tilespmem:v12+s3+$0x0], $0xffff  }
0x49: {  	s19 =	sadd.s32 $0x8, s19;
	s21 =	sadd.s32 $0x7, s20;
	v9 =	vadd.s32 s20, v0;
	v11 =	vadd.f32 v14, v11;
	v10 =	vadd.f32 v10, v13;
	v7 =	vld.idx.msk [tilespmem:v12+s12+$0x0], $0xffff  }
0x4a: {  	_ =	sdelay $0x3  }
0x4b: {  	s19 =	sadd.s32 $0x1, s20;
	v12 =	vadd.s32 s21, v0;
	v13 =	vld.idx.msk [tilespmem:v2+s3+$0x0], $0xffff  }
0x4c: {  	s25 =	sadd.s32 $0x6, s20;
	v2 =	vld.idx.msk [tilespmem:v2+s12+$0x0], $0xffff;
	v14 =	vadd.s32 s19, v0  }
0x4d: {  	s26 =	sadd.s32 $0x2, s20;
	v16 =	vld.idx.msk [tilespmem:v1+s3+$0x0], $0xffff;
	v15 =	vadd.s32 s25, v0  }
0x4e: {  	s28 =	sadd.s32 $0x5, s20;
	v1 =	vld.idx.msk [tilespmem:v1+s12+$0x0], $0xffff;
	v17 =	vadd.s32 s26, v0  }
0x4f: {  	v9 =	vld.idx.msk [tilespmem:v9+s13+$0x0], $0xffff;
	s29 =	sadd.s32 $0x3, s20;
	v18 =	vadd.s32 s28, v0  }
0x50: {  	s30 =	sadd.s32 $0x4, s20;
	v19 =	vadd.s32 s29, v0;
	v12 =	vld.idx.msk [tilespmem:v12+s13+$0x0], $0xffff  }
0x51: {  	v20 =	vadd.s32 s30, v0;
	v14 =	vld.idx.msk [tilespmem:v14+s13+$0x0], $0xffff  }
0x52: {  	v5 =	vadd.f32 v5, v11;
	v50 =	vld.idx.msk [tilespmem:v15+s13+$0x0], $0xffff  }
0x53: {  	v8 =	vadd.f32 v8, v10;
	v51 =	vld.idx.msk [tilespmem:v17+s13+$0x0], $0xffff  }
0x54: {  	v4 =	vadd.f32 v4, v5;
	v52 =	vld.idx.msk [tilespmem:v18+s13+$0x0], $0xffff  }
0x55: {  	v6 =	vadd.f32 v6, v8;
	v53 =	vld.idx.msk [tilespmem:v19+s13+$0x0], $0xffff  }
0x56: {  	v3 =	vadd.f32 v3, v4;
	v54 =	vld.idx.msk [tilespmem:v20+s13+$0x0], $0xffff  }
0x57: {  	v6 =	vadd.f32 v7, v6;
	v55 =	vld.idx.msk [tilespmem:v9+s3+$0x0], $0xffff  }
0x58: {  	v3 =	vadd.f32 v13, v3;
	v9 =	vld.idx.msk [tilespmem:v9+s12+$0x0], $0xffff  }
0x59: {  	v2 =	vadd.f32 v2, v6;
	v56 =	vld.idx.msk [tilespmem:v14+s3+$0x0], $0xffff  }
0x5a: {  	v3 =	vadd.f32 v16, v3;
	v57 =	vld.idx.msk [tilespmem:v14+s12+$0x0], $0xffff  }
0x5b: {  	v1 =	vadd.f32 v1, v2;
	v2 =	vld.idx.msk [tilespmem:v51+s3+$0x0], $0xffff  }
0x5c: {  	v3 =	vadd.f32 v55, v3;
	v10 =	vld.idx.msk [tilespmem:v51+s12+$0x0], $0xffff  }
0x5d: {  	v1 =	vadd.f32 v9, v1;
	v58 =	vld.idx.msk [tilespmem:v53+s3+$0x0], $0xffff  }
0x5e: {  	v8 =	vld.idx.msk [tilespmem:v53+s12+$0x0], $0xffff;
	v3 =	vadd.f32 v56, v3  }
0x5f: {  	v59 =	vld.idx.msk [tilespmem:v54+s3+$0x0], $0xffff;
	v1 =	vadd.f32 v57, v1  }
0x60: {  	v4 =	vld.idx.msk [tilespmem:v54+s12+$0x0], $0xffff;
	v2 =	vadd.f32 v2, v3  }
0x61: {  	v3 =	vld.idx.msk [tilespmem:v52+s3+$0x0], $0xffff;
	v1 =	vadd.f32 v10, v1  }
0x62: {  	v5 =	vld.idx.msk [tilespmem:v52+s12+$0x0], $0xffff;
	v2 =	vadd.f32 v58, v2  }
0x63: {  	v60 =	vld.idx.msk [tilespmem:v50+s3+$0x0], $0xffff;
	v1 =	vadd.f32 v8, v1  }
0x64: {  	v61 =	vld.idx.msk [tilespmem:v50+s12+$0x0], $0xffff;
	v2 =	vadd.f32 v59, v2  }
0x65: {  	v62 =	vld.idx.msk [tilespmem:v12+s3+$0x0], $0xffff;
	v1 =	vadd.f32 v4, v1  }
0x66: {  	v63 =	vld.idx.msk [tilespmem:v12+s12+$0x0], $0xffff;
	v2 =	vadd.f32 v3, v2  }
0x67: {  	s31 =	sshll.u32 s18, $0x4;
	s18 =	sadd.s32 $0x1, s18;
	v1 =	vadd.f32 v5, v1  }
0x68: {  	p0 =	sne.s32 s18, $0x8;
	v2 =	vadd.f32 v60, v2  }
.Ltmp1:
0x69: {  	v1 =	vadd.f32 v61, v1;
	(pc) =	sbr.rel @p0 .LBB2_2-.Ltmp1, $4  }
0x6a: {  	v2 =	vadd.f32 v62, v2  }
0x6b: {  	v1 =	vadd.f32 v63, v1  }
0x6c: {  	[tilespmem:s31+$0x6C00] =	vst v2  }
0x6d: {  	s17 =	sadd.s32 $0xC80, s17;
	[tilespmem:s31+$0x6C80] =	vst v1  }
0x6e: {  	[hbm4b:s6+s3] =	stream.linear.scatter [tilespmem:s14], [sflag:$0x1], $0x80, $0x38;
	[tilespmem:$0x6D00] =	vst v63  }
0x6f: {  	s16 =	sadd.s32 $0x1, s16;
	_ =	swait.ge [sflag:s11], $0x80  }
0x70: {  	p0 =	sne.s32 s16, s8;
	[sflag:s11] =	ssyncset.done $0x0  }
.Ltmp2:
0x71: {  	[sflag:s11] =	ssyncadd.s32 $0xFFFFFF80;
	(pc) =	sbr.rel @p0 .LBB2_1-.Ltmp2, $4  }
0x72: {  	[hbm4b:s7+s3] =	stream.linear.scatter [tilespmem:s15], [sflag:$0x1], $0x80, $0x38;
	[tilespmem:$0x6D00] =	vst v63  }
0x73: {  	_ =	swait.ge [sflag:s11], $0x80  }
0x74: {  	[sflag:s11] =	ssyncset.done $0x0  }
0x75: {  	[sflag:s11] =	ssyncadd.s32 $0xFFFFFF80  }
0x76: {  	_ =	sfence.sel $0x180000  }
0x77: {  	[bflag:$0x0] =	sbarrier.arrive $0xFFFF  }
0x78: {  	p0 =	sne.s32 s0, $0x0;
	_ =	strace $0x90000047  }
0x79: {  	s0 =	sadd.s32 @!p0 $0x100000, s1;
	[bflag:$0x2] =	sbarrier.arrive $0xFFFF  }
0x7a: {  	[sflag:s0] =	ssyncadd.tile.s32 @!p0 $0x1;
	_ =	shalt  }
.Lfunc_end2:
_tile_overlayer_lowered:
.L_overlay_start_2:
0x7b: {  	(tag) =	ssettag $0x2  }
0x7c: {  	s0 =	rddreg [dreg:$0x0];
	s2 =	stileid.u32  }
0x7d: {  	s1 =	rddreg [dreg:$0x1];
	p0 =	sne.s32 s2, $0x0  }
0x7e: {  	s3 =	rddreg [dreg:$0x2];
	[bflag:$0x3] =	sbarrier.arrive $0xFFFF;
	s2 =	simm.s32 @!p0 $0x1C01  }
0x7f: {  	[timem:s3], [sflag:s2] =	dma.local @!p0 [hbm:s0], s1  }
0x80: {  	s0 =	simm.s32 @!p0 $0x1  }
0x81: {  	_ =	swait.ge @!p0 [sflag:s0], s1  }
0x82: {  	s1 =	ssub.s32 @!p0 $0x0, s1;
	[sflag:s0] =	ssyncset.done @!p0 $0x0  }
0x83: {  	[sflag:s0] =	ssyncadd.s32 @!p0 s1  }
0x84: {  	[bflag:$0x3] =	sbarrier.arrive $0xFFFF  }
0x85: {  	_ =	shalt  }

</sc_bundles>
